<compile_context>
chip_gen: v7x
topology: tpu7x:2x2x1
jax: 0.10.2.dev20260603
libtpu: 0.0.44.dev20260713+nightly
codegen_flags: <defaults>
</compile_context>

<pallas_src>
import functools

import jax
import jax.numpy as jnp
from jax import lax
from jax.experimental import pallas as pl
from jax.experimental.pallas import tpu as pltpu
from jax.experimental.pallas import tpu_sc as plsc

_K = 128
_D = 32
_L = 8
_B = 16384
_BB = 256
_BF = _BB * _L

_NW = 32
_RPW = _B // _NW
_KC = 8
_SC_MESH = plsc.VectorSubcoreMesh(core_axis_name="c", subcore_axis_name="s")


@functools.partial(
    pl.kernel,
    mesh=_SC_MESH,
    out_type=jax.ShapeDtypeStruct((_B, _K, _D), jnp.float32),
    scratch_types=[
        pltpu.VMEM((_KC, _K, _D), jnp.float32),
        pltpu.SemaphoreType.DMA,
    ],
)
def _bcast_sc(cb_hbm, out_hbm, buf, sem):
    wid = lax.axis_index("s") * 2 + lax.axis_index("c")
    base = wid * _RPW
    for i in range(_KC):
        pltpu.sync_copy(cb_hbm, buf.at[i])

    def body(t, carry):
        pltpu.sync_copy(buf, out_hbm.at[pl.ds(base + t * _KC, _KC)])
        return carry

    lax.fori_loop(0, _RPW // _KC, body, 0)


def _tc_body(x_ref, cb_ref, q_ref, pol_ref):
    x = x_ref[...]
    cb = cb_ref[...]
    c2 = jnp.sum(cb ** 2, axis=-1)
    x2 = jnp.sum(x ** 2, axis=-1, keepdims=True)
    m = lax.dot_general(x, cb, (((1,), (1,)), ((), ())),
                        preferred_element_type=jnp.float32)
    d = (x2 + c2[None, :]) - 2.0 * m
    dmin = jnp.min(d, axis=1, keepdims=True)
    iota = lax.broadcasted_iota(jnp.int32, (_BF, _K), 1)
    idx = jnp.min(jnp.where(d <= dmin, iota, _K), axis=1, keepdims=True)
    onehot = (iota == idx).astype(jnp.float32)
    q = lax.dot_general(onehot, cb, (((1,), (0,)), ((), ())),
                        preferred_element_type=jnp.float32)
    q_ref[...] = q
    pol_ref[...] = x + (q - x)


@jax.jit
def kernel(latent, codebook):
    xflat = latent.reshape(_B * _L, _D)
    grid = _B // _BB
    q, pol = pl.pallas_call(
        _tc_body,
        grid=(grid,),
        in_specs=[
            pl.BlockSpec((_BF, _D), lambda i: (i, 0)),
            pl.BlockSpec((_K, _D), lambda i: (0, 0)),
        ],
        out_specs=[
            pl.BlockSpec((_BF, _D), lambda i: (i, 0)),
            pl.BlockSpec((_BF, _D), lambda i: (i, 0)),
        ],
        out_shape=[
            jax.ShapeDtypeStruct((_B * _L, _D), jnp.float32),
            jax.ShapeDtypeStruct((_B * _L, _D), jnp.float32),
        ],
    )(xflat, codebook)
    cbset = _bcast_sc(codebook)
    return (pol.reshape(_B, _L * _D),
            q.reshape(_B, _L * _D),
            cbset)

# --- scband reference (transcript-rebuilt; emitter-appended) ---
"""Pipeline reference for scband-vqtran-ascmodel-35459249996164 (READ-ONLY COPY).

The authoritative reference and input builder live on the scoring server;
editing this copy changes nothing except your own understanding.
"""

import jax, jax.numpy as jnp
import numpy as np

CODEBOOK_SIZE = 128
EMBEDDING_DIM = 32
LATENT_SIZE = 8
BATCH = 16384


def setup_inputs(seed: int = 0) -> dict:
    key = jax.random.key(seed)
    k1, k2 = jax.random.split(key)
    latent = jax.random.normal(k1, (BATCH, LATENT_SIZE * EMBEDDING_DIM), dtype=jnp.float32)
    # codebook initialized uniform(-1/K, 1/K) like the torch module
    codebook = jax.random.uniform(
        k2, (CODEBOOK_SIZE, EMBEDDING_DIM), dtype=jnp.float32,
        minval=-1.0 / CODEBOOK_SIZE, maxval=1.0 / CODEBOOK_SIZE)
    return {"latent": latent, "codebook": codebook}


def reference(latent, codebook):
    # Faithful translation of EMATranVectorQuantizer.forward (eval path, no EMA update)
    latent_flattened = latent.reshape(-1, EMBEDDING_DIM)
    distances = (jnp.sum(latent_flattened ** 2, axis=-1, keepdims=True)
                 + jnp.sum(codebook ** 2, axis=-1)
                 - 2.0 * jnp.matmul(latent_flattened, codebook.T))
    encoding_indices = jnp.argmin(distances, axis=-1)
    # one-hot via scatter-overwrite (maps to .at[].set)
    encodings = jnp.zeros((encoding_indices.shape[0], CODEBOOK_SIZE), dtype=jnp.float32)
    encodings = encodings.at[jnp.arange(encoding_indices.shape[0]), encoding_indices].set(1.0)
    quantized_latent = jnp.matmul(encodings, codebook).reshape(latent.shape)
    # straight-through estimator
    policy_vq_latent = latent + jax.lax.stop_gradient(quantized_latent - latent)
    codebook_set = jnp.broadcast_to(codebook[None, :, :], (latent.shape[0], CODEBOOK_SIZE, EMBEDDING_DIM))
    return (policy_vq_latent, quantized_latent, codebook_set)

if __name__ == "__main__":
    import jax
    _d = setup_inputs()
    print(jax.jit(kernel)(*tuple(_d.values())))

</pallas_src>

<mosaic_0001>
#map = affine_map<(d0, d1) -> (0, 0)>
#map1 = affine_map<(d0, d1) -> (0, 0, 0)>
module attributes {stable_mosaic.version = 14 : i64} {
  func.func @_bcast_sc(%arg0: i32, %arg1: i32, %arg2: memref<128x32xf32, #tpu.memory_space<hbm>>, %arg3: memref<16384x128x32xf32, #tpu.memory_space<hbm>>, %arg4: memref<8x128x32xf32, #tpu.memory_space<vmem>>, %arg5: memref<!tpu.dma_semaphore, #tpu.memory_space<semaphore_mem>>) attributes {dimension_semantics = [#tpu.dimension_semantics<core_parallel>, #tpu.dimension_semantics<subcore_parallel>], iteration_bounds = array<i64: 2, 16>, scalar_prefetch = 0 : i64, scratch_operands = 2 : i64, tpu.core_type = #tpu.core_type<sc_vector_subcore>, window_params = [{transform_indices = #map}, {transform_indices = #map1}]} {
    %mul3A = arith.constant 2 : i32
    %mul3A_0 = arith.muli %arg1, %mul3A : i32
    %add3A = arith.addi %mul3A_0, %arg0 : i32
    %mul3A_1 = arith.constant 512 : i32
    %mul3A_2 = arith.muli %add3A, %mul3A_1 : i32
    %run_scoped3A = arith.constant 0 : i32
    "tpu.region"() ({
      %run_scoped3A_15 = tpu.sem_alloc : memref<!tpu.dma_semaphore, #tpu.memory_space<semaphore_mem>>
      %dma_start3A = arith.constant 0 : i32
      %dma_start3A_16 = arith.constant 0 : i32
      %dma_start3A_17 = tpu.memref_slice %arg4[%run_scoped3A, %dma_start3A, %dma_start3A_16] : memref<8x128x32xf32, #tpu.memory_space<vmem>> -> memref<1x128x32xf32, #tpu.memory_space<vmem>>
      %dma_start3A_18 = tpu.memref_squeeze %dma_start3A_17 : memref<1x128x32xf32, #tpu.memory_space<vmem>> -> memref<128x32xf32, #tpu.memory_space<vmem>>
      %dma_start3A_19 = arith.constant 0 : i32
      %dma_start3A_20 = arith.constant 0 : i32
      %dma_start3A_21 = tpu.memref_slice %arg4[%run_scoped3A, %dma_start3A_19, %dma_start3A_20] : memref<8x128x32xf32, #tpu.memory_space<vmem>> -> memref<1x128x32xf32, #tpu.memory_space<vmem>>
      %dma_start3A_22 = tpu.memref_squeeze %dma_start3A_21 : memref<1x128x32xf32, #tpu.memory_space<vmem>> -> memref<128x32xf32, #tpu.memory_space<vmem>>
      tpu.enqueue_dma source(%arg2 : memref<128x32xf32, #tpu.memory_space<hbm>>) target(%dma_start3A_22 : memref<128x32xf32, #tpu.memory_space<vmem>>) target_semaphore(%run_scoped3A_15 : memref<!tpu.dma_semaphore, #tpu.memory_space<semaphore_mem>>)
      %dma_wait3A = arith.constant 0 : i32
      %dma_wait3A_23 = arith.constant 0 : i32
      %dma_wait3A_24 = tpu.memref_slice %arg4[%run_scoped3A, %dma_wait3A, %dma_wait3A_23] : memref<8x128x32xf32, #tpu.memory_space<vmem>> -> memref<1x128x32xf32, #tpu.memory_space<vmem>>
      %dma_wait3A_25 = tpu.memref_squeeze %dma_wait3A_24 : memref<1x128x32xf32, #tpu.memory_space<vmem>> -> memref<128x32xf32, #tpu.memory_space<vmem>>
      %dma_wait3A_26 = arith.constant 0 : i32
      %dma_wait3A_27 = arith.constant 0 : i32
      %dma_wait3A_28 = tpu.memref_slice %arg4[%run_scoped3A, %dma_wait3A_26, %dma_wait3A_27] : memref<8x128x32xf32, #tpu.memory_space<vmem>> -> memref<1x128x32xf32, #tpu.memory_space<vmem>>
      %dma_wait3A_29 = tpu.memref_squeeze %dma_wait3A_28 : memref<1x128x32xf32, #tpu.memory_space<vmem>> -> memref<128x32xf32, #tpu.memory_space<vmem>>
      tpu.wait_dma2 semaphore(%run_scoped3A_15 : memref<!tpu.dma_semaphore, #tpu.memory_space<semaphore_mem>>) src(%arg2 : memref<128x32xf32, #tpu.memory_space<hbm>>) dst(%dma_wait3A_29 : memref<128x32xf32, #tpu.memory_space<vmem>>)
      tpu.yield
    }) : () -> ()
    %run_scoped3A_3 = arith.constant 1 : i32
    "tpu.region"() ({
      %run_scoped3A_15 = tpu.sem_alloc : memref<!tpu.dma_semaphore, #tpu.memory_space<semaphore_mem>>
      %dma_start3A = arith.constant 0 : i32
      %dma_start3A_16 = arith.constant 0 : i32
      %dma_start3A_17 = tpu.memref_slice %arg4[%run_scoped3A_3, %dma_start3A, %dma_start3A_16] : memref<8x128x32xf32, #tpu.memory_space<vmem>> -> memref<1x128x32xf32, #tpu.memory_space<vmem>>
      %dma_start3A_18 = tpu.memref_squeeze %dma_start3A_17 : memref<1x128x32xf32, #tpu.memory_space<vmem>> -> memref<128x32xf32, #tpu.memory_space<vmem>>
      %dma_start3A_19 = arith.constant 0 : i32
      %dma_start3A_20 = arith.constant 0 : i32
      %dma_start3A_21 = tpu.memref_slice %arg4[%run_scoped3A_3, %dma_start3A_19, %dma_start3A_20] : memref<8x128x32xf32, #tpu.memory_space<vmem>> -> memref<1x128x32xf32, #tpu.memory_space<vmem>>
      %dma_start3A_22 = tpu.memref_squeeze %dma_start3A_21 : memref<1x128x32xf32, #tpu.memory_space<vmem>> -> memref<128x32xf32, #tpu.memory_space<vmem>>
      tpu.enqueue_dma source(%arg2 : memref<128x32xf32, #tpu.memory_space<hbm>>) target(%dma_start3A_22 : memref<128x32xf32, #tpu.memory_space<vmem>>) target_semaphore(%run_scoped3A_15 : memref<!tpu.dma_semaphore, #tpu.memory_space<semaphore_mem>>)
      %dma_wait3A = arith.constant 0 : i32
      %dma_wait3A_23 = arith.constant 0 : i32
      %dma_wait3A_24 = tpu.memref_slice %arg4[%run_scoped3A_3, %dma_wait3A, %dma_wait3A_23] : memref<8x128x32xf32, #tpu.memory_space<vmem>> -> memref<1x128x32xf32, #tpu.memory_space<vmem>>
      %dma_wait3A_25 = tpu.memref_squeeze %dma_wait3A_24 : memref<1x128x32xf32, #tpu.memory_space<vmem>> -> memref<128x32xf32, #tpu.memory_space<vmem>>
      %dma_wait3A_26 = arith.constant 0 : i32
      %dma_wait3A_27 = arith.constant 0 : i32
      %dma_wait3A_28 = tpu.memref_slice %arg4[%run_scoped3A_3, %dma_wait3A_26, %dma_wait3A_27] : memref<8x128x32xf32, #tpu.memory_space<vmem>> -> memref<1x128x32xf32, #tpu.memory_space<vmem>>
      %dma_wait3A_29 = tpu.memref_squeeze %dma_wait3A_28 : memref<1x128x32xf32, #tpu.memory_space<vmem>> -> memref<128x32xf32, #tpu.memory_space<vmem>>
      tpu.wait_dma2 semaphore(%run_scoped3A_15 : memref<!tpu.dma_semaphore, #tpu.memory_space<semaphore_mem>>) src(%arg2 : memref<128x32xf32, #tpu.memory_space<hbm>>) dst(%dma_wait3A_29 : memref<128x32xf32, #tpu.memory_space<vmem>>)
      tpu.yield
    }) : () -> ()
    %run_scoped3A_4 = arith.constant 2 : i32
    "tpu.region"() ({
      %run_scoped3A_15 = tpu.sem_alloc : memref<!tpu.dma_semaphore, #tpu.memory_space<semaphore_mem>>
      %dma_start3A = arith.constant 0 : i32
      %dma_start3A_16 = arith.constant 0 : i32
      %dma_start3A_17 = tpu.memref_slice %arg4[%run_scoped3A_4, %dma_start3A, %dma_start3A_16] : memref<8x128x32xf32, #tpu.memory_space<vmem>> -> memref<1x128x32xf32, #tpu.memory_space<vmem>>
      %dma_start3A_18 = tpu.memref_squeeze %dma_start3A_17 : memref<1x128x32xf32, #tpu.memory_space<vmem>> -> memref<128x32xf32, #tpu.memory_space<vmem>>
      %dma_start3A_19 = arith.constant 0 : i32
      %dma_start3A_20 = arith.constant 0 : i32
      %dma_start3A_21 = tpu.memref_slice %arg4[%run_scoped3A_4, %dma_start3A_19, %dma_start3A_20] : memref<8x128x32xf32, #tpu.memory_space<vmem>> -> memref<1x128x32xf32, #tpu.memory_space<vmem>>
      %dma_start3A_22 = tpu.memref_squeeze %dma_start3A_21 : memref<1x128x32xf32, #tpu.memory_space<vmem>> -> memref<128x32xf32, #tpu.memory_space<vmem>>
      tpu.enqueue_dma source(%arg2 : memref<128x32xf32, #tpu.memory_space<hbm>>) target(%dma_start3A_22 : memref<128x32xf32, #tpu.memory_space<vmem>>) target_semaphore(%run_scoped3A_15 : memref<!tpu.dma_semaphore, #tpu.memory_space<semaphore_mem>>)
      %dma_wait3A = arith.constant 0 : i32
      %dma_wait3A_23 = arith.constant 0 : i32
      %dma_wait3A_24 = tpu.memref_slice %arg4[%run_scoped3A_4, %dma_wait3A, %dma_wait3A_23] : memref<8x128x32xf32, #tpu.memory_space<vmem>> -> memref<1x128x32xf32, #tpu.memory_space<vmem>>
      %dma_wait3A_25 = tpu.memref_squeeze %dma_wait3A_24 : memref<1x128x32xf32, #tpu.memory_space<vmem>> -> memref<128x32xf32, #tpu.memory_space<vmem>>
      %dma_wait3A_26 = arith.constant 0 : i32
      %dma_wait3A_27 = arith.constant 0 : i32
      %dma_wait3A_28 = tpu.memref_slice %arg4[%run_scoped3A_4, %dma_wait3A_26, %dma_wait3A_27] : memref<8x128x32xf32, #tpu.memory_space<vmem>> -> memref<1x128x32xf32, #tpu.memory_space<vmem>>
      %dma_wait3A_29 = tpu.memref_squeeze %dma_wait3A_28 : memref<1x128x32xf32, #tpu.memory_space<vmem>> -> memref<128x32xf32, #tpu.memory_space<vmem>>
      tpu.wait_dma2 semaphore(%run_scoped3A_15 : memref<!tpu.dma_semaphore, #tpu.memory_space<semaphore_mem>>) src(%arg2 : memref<128x32xf32, #tpu.memory_space<hbm>>) dst(%dma_wait3A_29 : memref<128x32xf32, #tpu.memory_space<vmem>>)
      tpu.yield
    }) : () -> ()
    %run_scoped3A_5 = arith.constant 3 : i32
    "tpu.region"() ({
      %run_scoped3A_15 = tpu.sem_alloc : memref<!tpu.dma_semaphore, #tpu.memory_space<semaphore_mem>>
      %dma_start3A = arith.constant 0 : i32
      %dma_start3A_16 = arith.constant 0 : i32
      %dma_start3A_17 = tpu.memref_slice %arg4[%run_scoped3A_5, %dma_start3A, %dma_start3A_16] : memref<8x128x32xf32, #tpu.memory_space<vmem>> -> memref<1x128x32xf32, #tpu.memory_space<vmem>>
      %dma_start3A_18 = tpu.memref_squeeze %dma_start3A_17 : memref<1x128x32xf32, #tpu.memory_space<vmem>> -> memref<128x32xf32, #tpu.memory_space<vmem>>
      %dma_start3A_19 = arith.constant 0 : i32
      %dma_start3A_20 = arith.constant 0 : i32
      %dma_start3A_21 = tpu.memref_slice %arg4[%run_scoped3A_5, %dma_start3A_19, %dma_start3A_20] : memref<8x128x32xf32, #tpu.memory_space<vmem>> -> memref<1x128x32xf32, #tpu.memory_space<vmem>>
      %dma_start3A_22 = tpu.memref_squeeze %dma_start3A_21 : memref<1x128x32xf32, #tpu.memory_space<vmem>> -> memref<128x32xf32, #tpu.memory_space<vmem>>
      tpu.enqueue_dma source(%arg2 : memref<128x32xf32, #tpu.memory_space<hbm>>) target(%dma_start3A_22 : memref<128x32xf32, #tpu.memory_space<vmem>>) target_semaphore(%run_scoped3A_15 : memref<!tpu.dma_semaphore, #tpu.memory_space<semaphore_mem>>)
      %dma_wait3A = arith.constant 0 : i32
      %dma_wait3A_23 = arith.constant 0 : i32
      %dma_wait3A_24 = tpu.memref_slice %arg4[%run_scoped3A_5, %dma_wait3A, %dma_wait3A_23] : memref<8x128x32xf32, #tpu.memory_space<vmem>> -> memref<1x128x32xf32, #tpu.memory_space<vmem>>
      %dma_wait3A_25 = tpu.memref_squeeze %dma_wait3A_24 : memref<1x128x32xf32, #tpu.memory_space<vmem>> -> memref<128x32xf32, #tpu.memory_space<vmem>>
      %dma_wait3A_26 = arith.constant 0 : i32
      %dma_wait3A_27 = arith.constant 0 : i32
      %dma_wait3A_28 = tpu.memref_slice %arg4[%run_scoped3A_5, %dma_wait3A_26, %dma_wait3A_27] : memref<8x128x32xf32, #tpu.memory_space<vmem>> -> memref<1x128x32xf32, #tpu.memory_space<vmem>>
      %dma_wait3A_29 = tpu.memref_squeeze %dma_wait3A_28 : memref<1x128x32xf32, #tpu.memory_space<vmem>> -> memref<128x32xf32, #tpu.memory_space<vmem>>
      tpu.wait_dma2 semaphore(%run_scoped3A_15 : memref<!tpu.dma_semaphore, #tpu.memory_space<semaphore_mem>>) src(%arg2 : memref<128x32xf32, #tpu.memory_space<hbm>>) dst(%dma_wait3A_29 : memref<128x32xf32, #tpu.memory_space<vmem>>)
      tpu.yield
    }) : () -> ()
    %run_scoped3A_6 = arith.constant 4 : i32
    "tpu.region"() ({
      %run_scoped3A_15 = tpu.sem_alloc : memref<!tpu.dma_semaphore, #tpu.memory_space<semaphore_mem>>
      %dma_start3A = arith.constant 0 : i32
      %dma_start3A_16 = arith.constant 0 : i32
      %dma_start3A_17 = tpu.memref_slice %arg4[%run_scoped3A_6, %dma_start3A, %dma_start3A_16] : memref<8x128x32xf32, #tpu.memory_space<vmem>> -> memref<1x128x32xf32, #tpu.memory_space<vmem>>
      %dma_start3A_18 = tpu.memref_squeeze %dma_start3A_17 : memref<1x128x32xf32, #tpu.memory_space<vmem>> -> memref<128x32xf32, #tpu.memory_space<vmem>>
      %dma_start3A_19 = arith.constant 0 : i32
      %dma_start3A_20 = arith.constant 0 : i32
      %dma_start3A_21 = tpu.memref_slice %arg4[%run_scoped3A_6, %dma_start3A_19, %dma_start3A_20] : memref<8x128x32xf32, #tpu.memory_space<vmem>> -> memref<1x128x32xf32, #tpu.memory_space<vmem>>
      %dma_start3A_22 = tpu.memref_squeeze %dma_start3A_21 : memref<1x128x32xf32, #tpu.memory_space<vmem>> -> memref<128x32xf32, #tpu.memory_space<vmem>>
      tpu.enqueue_dma source(%arg2 : memref<128x32xf32, #tpu.memory_space<hbm>>) target(%dma_start3A_22 : memref<128x32xf32, #tpu.memory_space<vmem>>) target_semaphore(%run_scoped3A_15 : memref<!tpu.dma_semaphore, #tpu.memory_space<semaphore_mem>>)
      %dma_wait3A = arith.constant 0 : i32
      %dma_wait3A_23 = arith.constant 0 : i32
      %dma_wait3A_24 = tpu.memref_slice %arg4[%run_scoped3A_6, %dma_wait3A, %dma_wait3A_23] : memref<8x128x32xf32, #tpu.memory_space<vmem>> -> memref<1x128x32xf32, #tpu.memory_space<vmem>>
      %dma_wait3A_25 = tpu.memref_squeeze %dma_wait3A_24 : memref<1x128x32xf32, #tpu.memory_space<vmem>> -> memref<128x32xf32, #tpu.memory_space<vmem>>
      %dma_wait3A_26 = arith.constant 0 : i32
      %dma_wait3A_27 = arith.constant 0 : i32
      %dma_wait3A_28 = tpu.memref_slice %arg4[%run_scoped3A_6, %dma_wait3A_26, %dma_wait3A_27] : memref<8x128x32xf32, #tpu.memory_space<vmem>> -> memref<1x128x32xf32, #tpu.memory_space<vmem>>
      %dma_wait3A_29 = tpu.memref_squeeze %dma_wait3A_28 : memref<1x128x32xf32, #tpu.memory_space<vmem>> -> memref<128x32xf32, #tpu.memory_space<vmem>>
      tpu.wait_dma2 semaphore(%run_scoped3A_15 : memref<!tpu.dma_semaphore, #tpu.memory_space<semaphore_mem>>) src(%arg2 : memref<128x32xf32, #tpu.memory_space<hbm>>) dst(%dma_wait3A_29 : memref<128x32xf32, #tpu.memory_space<vmem>>)
      tpu.yield
    }) : () -> ()
    %run_scoped3A_7 = arith.constant 5 : i32
    "tpu.region"() ({
      %run_scoped3A_15 = tpu.sem_alloc : memref<!tpu.dma_semaphore, #tpu.memory_space<semaphore_mem>>
      %dma_start3A = arith.constant 0 : i32
      %dma_start3A_16 = arith.constant 0 : i32
      %dma_start3A_17 = tpu.memref_slice %arg4[%run_scoped3A_7, %dma_start3A, %dma_start3A_16] : memref<8x128x32xf32, #tpu.memory_space<vmem>> -> memref<1x128x32xf32, #tpu.memory_space<vmem>>
      %dma_start3A_18 = tpu.memref_squeeze %dma_start3A_17 : memref<1x128x32xf32, #tpu.memory_space<vmem>> -> memref<128x32xf32, #tpu.memory_space<vmem>>
      %dma_start3A_19 = arith.constant 0 : i32
      %dma_start3A_20 = arith.constant 0 : i32
      %dma_start3A_21 = tpu.memref_slice %arg4[%run_scoped3A_7, %dma_start3A_19, %dma_start3A_20] : memref<8x128x32xf32, #tpu.memory_space<vmem>> -> memref<1x128x32xf32, #tpu.memory_space<vmem>>
      %dma_start3A_22 = tpu.memref_squeeze %dma_start3A_21 : memref<1x128x32xf32, #tpu.memory_space<vmem>> -> memref<128x32xf32, #tpu.memory_space<vmem>>
      tpu.enqueue_dma source(%arg2 : memref<128x32xf32, #tpu.memory_space<hbm>>) target(%dma_start3A_22 : memref<128x32xf32, #tpu.memory_space<vmem>>) target_semaphore(%run_scoped3A_15 : memref<!tpu.dma_semaphore, #tpu.memory_space<semaphore_mem>>)
      %dma_wait3A = arith.constant 0 : i32
      %dma_wait3A_23 = arith.constant 0 : i32
      %dma_wait3A_24 = tpu.memref_slice %arg4[%run_scoped3A_7, %dma_wait3A, %dma_wait3A_23] : memref<8x128x32xf32, #tpu.memory_space<vmem>> -> memref<1x128x32xf32, #tpu.memory_space<vmem>>
      %dma_wait3A_25 = tpu.memref_squeeze %dma_wait3A_24 : memref<1x128x32xf32, #tpu.memory_space<vmem>> -> memref<128x32xf32, #tpu.memory_space<vmem>>
      %dma_wait3A_26 = arith.constant 0 : i32
      %dma_wait3A_27 = arith.constant 0 : i32
      %dma_wait3A_28 = tpu.memref_slice %arg4[%run_scoped3A_7, %dma_wait3A_26, %dma_wait3A_27] : memref<8x128x32xf32, #tpu.memory_space<vmem>> -> memref<1x128x32xf32, #tpu.memory_space<vmem>>
      %dma_wait3A_29 = tpu.memref_squeeze %dma_wait3A_28 : memref<1x128x32xf32, #tpu.memory_space<vmem>> -> memref<128x32xf32, #tpu.memory_space<vmem>>
      tpu.wait_dma2 semaphore(%run_scoped3A_15 : memref<!tpu.dma_semaphore, #tpu.memory_space<semaphore_mem>>) src(%arg2 : memref<128x32xf32, #tpu.memory_space<hbm>>) dst(%dma_wait3A_29 : memref<128x32xf32, #tpu.memory_space<vmem>>)
      tpu.yield
    }) : () -> ()
    %run_scoped3A_8 = arith.constant 6 : i32
    "tpu.region"() ({
      %run_scoped3A_15 = tpu.sem_alloc : memref<!tpu.dma_semaphore, #tpu.memory_space<semaphore_mem>>
      %dma_start3A = arith.constant 0 : i32
      %dma_start3A_16 = arith.constant 0 : i32
      %dma_start3A_17 = tpu.memref_slice %arg4[%run_scoped3A_8, %dma_start3A, %dma_start3A_16] : memref<8x128x32xf32, #tpu.memory_space<vmem>> -> memref<1x128x32xf32, #tpu.memory_space<vmem>>
      %dma_start3A_18 = tpu.memref_squeeze %dma_start3A_17 : memref<1x128x32xf32, #tpu.memory_space<vmem>> -> memref<128x32xf32, #tpu.memory_space<vmem>>
      %dma_start3A_19 = arith.constant 0 : i32
      %dma_start3A_20 = arith.constant 0 : i32
      %dma_start3A_21 = tpu.memref_slice %arg4[%run_scoped3A_8, %dma_start3A_19, %dma_start3A_20] : memref<8x128x32xf32, #tpu.memory_space<vmem>> -> memref<1x128x32xf32, #tpu.memory_space<vmem>>
      %dma_start3A_22 = tpu.memref_squeeze %dma_start3A_21 : memref<1x128x32xf32, #tpu.memory_space<vmem>> -> memref<128x32xf32, #tpu.memory_space<vmem>>
      tpu.enqueue_dma source(%arg2 : memref<128x32xf32, #tpu.memory_space<hbm>>) target(%dma_start3A_22 : memref<128x32xf32, #tpu.memory_space<vmem>>) target_semaphore(%run_scoped3A_15 : memref<!tpu.dma_semaphore, #tpu.memory_space<semaphore_mem>>)
      %dma_wait3A = arith.constant 0 : i32
      %dma_wait3A_23 = arith.constant 0 : i32
      %dma_wait3A_24 = tpu.memref_slice %arg4[%run_scoped3A_8, %dma_wait3A, %dma_wait3A_23] : memref<8x128x32xf32, #tpu.memory_space<vmem>> -> memref<1x128x32xf32, #tpu.memory_space<vmem>>
      %dma_wait3A_25 = tpu.memref_squeeze %dma_wait3A_24 : memref<1x128x32xf32, #tpu.memory_space<vmem>> -> memref<128x32xf32, #tpu.memory_space<vmem>>
      %dma_wait3A_26 = arith.constant 0 : i32
      %dma_wait3A_27 = arith.constant 0 : i32
      %dma_wait3A_28 = tpu.memref_slice %arg4[%run_scoped3A_8, %dma_wait3A_26, %dma_wait3A_27] : memref<8x128x32xf32, #tpu.memory_space<vmem>> -> memref<1x128x32xf32, #tpu.memory_space<vmem>>
      %dma_wait3A_29 = tpu.memref_squeeze %dma_wait3A_28 : memref<1x128x32xf32, #tpu.memory_space<vmem>> -> memref<128x32xf32, #tpu.memory_space<vmem>>
      tpu.wait_dma2 semaphore(%run_scoped3A_15 : memref<!tpu.dma_semaphore, #tpu.memory_space<semaphore_mem>>) src(%arg2 : memref<128x32xf32, #tpu.memory_space<hbm>>) dst(%dma_wait3A_29 : memref<128x32xf32, #tpu.memory_space<vmem>>)
      tpu.yield
    }) : () -> ()
    %run_scoped3A_9 = arith.constant 7 : i32
    "tpu.region"() ({
      %run_scoped3A_15 = tpu.sem_alloc : memref<!tpu.dma_semaphore, #tpu.memory_space<semaphore_mem>>
      %dma_start3A = arith.constant 0 : i32
      %dma_start3A_16 = arith.constant 0 : i32
      %dma_start3A_17 = tpu.memref_slice %arg4[%run_scoped3A_9, %dma_start3A, %dma_start3A_16] : memref<8x128x32xf32, #tpu.memory_space<vmem>> -> memref<1x128x32xf32, #tpu.memory_space<vmem>>
      %dma_start3A_18 = tpu.memref_squeeze %dma_start3A_17 : memref<1x128x32xf32, #tpu.memory_space<vmem>> -> memref<128x32xf32, #tpu.memory_space<vmem>>
      %dma_start3A_19 = arith.constant 0 : i32
      %dma_start3A_20 = arith.constant 0 : i32
      %dma_start3A_21 = tpu.memref_slice %arg4[%run_scoped3A_9, %dma_start3A_19, %dma_start3A_20] : memref<8x128x32xf32, #tpu.memory_space<vmem>> -> memref<1x128x32xf32, #tpu.memory_space<vmem>>
      %dma_start3A_22 = tpu.memref_squeeze %dma_start3A_21 : memref<1x128x32xf32, #tpu.memory_space<vmem>> -> memref<128x32xf32, #tpu.memory_space<vmem>>
      tpu.enqueue_dma source(%arg2 : memref<128x32xf32, #tpu.memory_space<hbm>>) target(%dma_start3A_22 : memref<128x32xf32, #tpu.memory_space<vmem>>) target_semaphore(%run_scoped3A_15 : memref<!tpu.dma_semaphore, #tpu.memory_space<semaphore_mem>>)
      %dma_wait3A = arith.constant 0 : i32
      %dma_wait3A_23 = arith.constant 0 : i32
      %dma_wait3A_24 = tpu.memref_slice %arg4[%run_scoped3A_9, %dma_wait3A, %dma_wait3A_23] : memref<8x128x32xf32, #tpu.memory_space<vmem>> -> memref<1x128x32xf32, #tpu.memory_space<vmem>>
      %dma_wait3A_25 = tpu.memref_squeeze %dma_wait3A_24 : memref<1x128x32xf32, #tpu.memory_space<vmem>> -> memref<128x32xf32, #tpu.memory_space<vmem>>
      %dma_wait3A_26 = arith.constant 0 : i32
      %dma_wait3A_27 = arith.constant 0 : i32
      %dma_wait3A_28 = tpu.memref_slice %arg4[%run_scoped3A_9, %dma_wait3A_26, %dma_wait3A_27] : memref<8x128x32xf32, #tpu.memory_space<vmem>> -> memref<1x128x32xf32, #tpu.memory_space<vmem>>
      %dma_wait3A_29 = tpu.memref_squeeze %dma_wait3A_28 : memref<1x128x32xf32, #tpu.memory_space<vmem>> -> memref<128x32xf32, #tpu.memory_space<vmem>>
      tpu.wait_dma2 semaphore(%run_scoped3A_15 : memref<!tpu.dma_semaphore, #tpu.memory_space<semaphore_mem>>) src(%arg2 : memref<128x32xf32, #tpu.memory_space<hbm>>) dst(%dma_wait3A_29 : memref<128x32xf32, #tpu.memory_space<vmem>>)
      tpu.yield
    }) : () -> ()
    %scan3A = arith.constant 0 : i32
    %scan3A_10 = arith.constant 0 : i32
    %scan3A_11 = arith.constant 64 : i32
    %scan3A_12 = arith.addi %scan3A_10, %scan3A_11 : i32
    %scan3A_13 = arith.constant 1 : i32
    scf.for %scan3A_15 = %scan3A_10 to %scan3A_12 step %scan3A_13  : i32 {
      %mul3A_16 = arith.constant 8 : i32
      %mul3A_17 = arith.muli %scan3A_15, %mul3A_16 : i32
      %add3A_18 = arith.addi %mul3A_2, %mul3A_17 : i32
      "tpu.region"() ({
        %run_scoped3A_19 = tpu.sem_alloc : memref<!tpu.dma_semaphore, #tpu.memory_space<semaphore_mem>>
        %dma_start3A = arith.constant 0 : i32
        %dma_start3A_20 = arith.constant 0 : i32
        %dma_start3A_21 = tpu.memref_slice %arg3[%add3A_18, %dma_start3A, %dma_start3A_20] : memref<16384x128x32xf32, #tpu.memory_space<hbm>> -> memref<8x128x32xf32, #tpu.memory_space<hbm>>
        %dma_start3A_22 = arith.constant 0 : i32
        %dma_start3A_23 = arith.constant 0 : i32
        %dma_start3A_24 = tpu.memref_slice %arg3[%add3A_18, %dma_start3A_22, %dma_start3A_23] : memref<16384x128x32xf32, #tpu.memory_space<hbm>> -> memref<8x128x32xf32, #tpu.memory_space<hbm>>
        tpu.enqueue_dma source(%arg4 : memref<8x128x32xf32, #tpu.memory_space<vmem>>) target(%dma_start3A_24 : memref<8x128x32xf32, #tpu.memory_space<hbm>>) target_semaphore(%run_scoped3A_19 : memref<!tpu.dma_semaphore, #tpu.memory_space<semaphore_mem>>)
        %dma_wait3A = arith.constant 0 : i32
        %dma_wait3A_25 = arith.constant 0 : i32
        %dma_wait3A_26 = tpu.memref_slice %arg3[%add3A_18, %dma_wait3A, %dma_wait3A_25] : memref<16384x128x32xf32, #tpu.memory_space<hbm>> -> memref<8x128x32xf32, #tpu.memory_space<hbm>>
        %dma_wait3A_27 = arith.constant 0 : i32
        %dma_wait3A_28 = arith.constant 0 : i32
        %dma_wait3A_29 = tpu.memref_slice %arg3[%add3A_18, %dma_wait3A_27, %dma_wait3A_28] : memref<16384x128x32xf32, #tpu.memory_space<hbm>> -> memref<8x128x32xf32, #tpu.memory_space<hbm>>
        tpu.wait_dma2 semaphore(%run_scoped3A_19 : memref<!tpu.dma_semaphore, #tpu.memory_space<semaphore_mem>>) src(%arg4 : memref<8x128x32xf32, #tpu.memory_space<vmem>>) dst(%dma_wait3A_29 : memref<8x128x32xf32, #tpu.memory_space<hbm>>)
        tpu.yield
      }) : () -> ()
    }
    %scan3A_14 = arith.constant 64 : i32
    return
  }
}

module attributes {stable_mosaic.version = 14 : i64} {
  func.func @_tc_body(%arg0: i32, %arg1: memref<2048x32xf32, #tpu.memory_space<vmem>>, %arg2: memref<128x32xf32, #tpu.memory_space<vmem>>, %arg3: memref<2048x32xf32, #tpu.memory_space<vmem>>, %arg4: memref<2048x32xf32, #tpu.memory_space<vmem>>) attributes {dimension_semantics = [#tpu.dimension_semantics<arbitrary>], iteration_bounds = array<i64: 64>, scalar_prefetch = 0 : i64, scratch_operands = 0 : i64, tpu.core_type = #tpu.core_type<tc>, window_params = [{transform_indices = @transform_0, window_bounds = array<i64: 2048, 32>}, {pipeline_mode = #tpu.pipeline_mode<synchronous>, transform_indices = @transform_1, window_bounds = array<i64: 128, 32>}, {transform_indices = @transform_2, window_bounds = array<i64: 2048, 32>}, {transform_indices = @transform_3, window_bounds = array<i64: 2048, 32>}]} {
    %get3A = arith.constant 0 : index
    %get3A_0 = arith.constant 0 : index
    %get3A_1 = vector.load %arg1[%get3A, %get3A_0] : memref<2048x32xf32, #tpu.memory_space<vmem>>, vector<2048x32xf32>
    %get3A_2 = arith.constant 0 : index
    %get3A_3 = arith.constant 0 : index
    %get3A_4 = vector.load %arg2[%get3A_2, %get3A_3] : memref<128x32xf32, #tpu.memory_space<vmem>>, vector<128x32xf32>
    %integer_pow3A = arith.mulf %get3A_4, %get3A_4 : vector<128x32xf32>
    %reduce_sum3A = arith.constant dense<0.000000e+00> : vector<128xf32>
    %reduce_sum3A_5 = vector.multi_reduction <add>, %integer_pow3A, %reduce_sum3A [1] : vector<128x32xf32> to vector<128xf32>
    %integer_pow3A_6 = arith.mulf %get3A_1, %get3A_1 : vector<2048x32xf32>
    %reduce_sum3A_7 = arith.constant dense<0.000000e+00> : vector<2048xf32>
    %reduce_sum3A_8 = vector.multi_reduction <add>, %integer_pow3A_6, %reduce_sum3A_7 [1] : vector<2048x32xf32> to vector<2048xf32>
    %broadcast_in_dim3A = vector.shape_cast %reduce_sum3A_8 : vector<2048xf32> to vector<2048x1xf32>
    %dot_general3A = arith.constant dense<0.000000e+00> : vector<2048x128xf32>
    %dot_general3A_9 = tpu.matmul %get3A_1, %get3A_4, %dot_general3A {dimension_numbers = #tpu.dot_dimension_numbers<[1], [1], [0], [0], [0, 0, 1, 0], [], []>, transpose_lhs_hint = false} : vector<2048x32xf32>, vector<128x32xf32>, vector<2048x128xf32> -> vector<2048x128xf32>
    %broadcast_in_dim3A_10 = vector.shape_cast %reduce_sum3A_5 : vector<128xf32> to vector<1x128xf32>
    %add3A = vector.broadcast %broadcast_in_dim3A : vector<2048x1xf32> to vector<2048x128xf32>
    %add3A_11 = vector.broadcast %broadcast_in_dim3A_10 : vector<1x128xf32> to vector<2048x128xf32>
    %add3A_12 = arith.addf %add3A, %add3A_11 : vector<2048x128xf32>
    %mul3A = arith.constant 2.000000e+00 : f32
    %mul3A_13 = vector.broadcast %mul3A : f32 to vector<2048x128xf32>
    %mul3A_14 = arith.mulf %mul3A_13, %dot_general3A_9 : vector<2048x128xf32>
    %sub3A = arith.subf %add3A_12, %mul3A_14 : vector<2048x128xf32>
    %reduce_min3A = arith.constant dense<0x7F800000> : vector<2048xf32>
    %reduce_min3A_15 = vector.multi_reduction <minimumf>, %sub3A, %reduce_min3A [1] : vector<2048x128xf32> to vector<2048xf32>
    %broadcast_in_dim3A_16 = vector.shape_cast %reduce_min3A_15 : vector<2048xf32> to vector<2048x1xf32>
    %iota3A = tpu.iota {dimensions = array<i32: 1>} : vector<2048x128xi32>
    %le3A = vector.broadcast %broadcast_in_dim3A_16 : vector<2048x1xf32> to vector<2048x128xf32>
    %le3A_17 = arith.cmpf ole, %sub3A, %le3A : vector<2048x128xf32>
    %jit3A = arith.constant 128 : i32
    %broadcast_in_dim3A_18 = vector.broadcast %jit3A : i32 to vector<2048x128xi32>
    %select_n3A = arith.select %le3A_17, %iota3A, %broadcast_in_dim3A_18 : vector<2048x128xi1>, vector<2048x128xi32>
    %reduce_min3A_19 = arith.constant dense<2147483647> : vector<2048xi32>
    %reduce_min3A_20 = vector.multi_reduction <minsi>, %select_n3A, %reduce_min3A_19 [1] : vector<2048x128xi32> to vector<2048xi32>
    %broadcast_in_dim3A_21 = vector.shape_cast %reduce_min3A_20 : vector<2048xi32> to vector<2048x1xi32>
    %eq3A = vector.broadcast %broadcast_in_dim3A_21 : vector<2048x1xi32> to vector<2048x128xi32>
    %eq3A_22 = arith.cmpi eq, %iota3A, %eq3A : vector<2048x128xi32>
    %convert_element_type3A = arith.extui %eq3A_22 : vector<2048x128xi1> to vector<2048x128xi32>
    %convert_element_type3A_23 = arith.sitofp %convert_element_type3A : vector<2048x128xi32> to vector<2048x128xf32>
    %dot_general3A_24 = arith.constant dense<0.000000e+00> : vector<2048x32xf32>
    %dot_general3A_25 = tpu.matmul %convert_element_type3A_23, %get3A_4, %dot_general3A_24 {dimension_numbers = #tpu.dot_dimension_numbers<[1], [0], [0], [1], [0, 0, 1, 1], [], []>, transpose_lhs_hint = false} : vector<2048x128xf32>, vector<128x32xf32>, vector<2048x32xf32> -> vector<2048x32xf32>
    %swap3A = arith.constant 0 : index
    %swap3A_26 = arith.constant 0 : index
    %swap3A_27 = vector.load %arg3[%swap3A, %swap3A_26] : memref<2048x32xf32, #tpu.memory_space<vmem>>, vector<2048x32xf32>
    tpu.vector_store %arg3[%swap3A, %swap3A_26], %dot_general3A_25 {strides = array<i32>} : memref<2048x32xf32, #tpu.memory_space<vmem>>, vector<2048x32xf32>,
    %sub3A_28 = arith.subf %dot_general3A_25, %get3A_1 : vector<2048x32xf32>
    %add3A_29 = arith.addf %get3A_1, %sub3A_28 : vector<2048x32xf32>
    %swap3A_30 = arith.constant 0 : index
    %swap3A_31 = arith.constant 0 : index
    %swap3A_32 = vector.load %arg4[%swap3A_30, %swap3A_31] : memref<2048x32xf32, #tpu.memory_space<vmem>>, vector<2048x32xf32>
    tpu.vector_store %arg4[%swap3A_30, %swap3A_31], %add3A_29 {strides = array<i32>} : memref<2048x32xf32, #tpu.memory_space<vmem>>, vector<2048x32xf32>,
    return
  }
  func.func @transform_0(%arg0: i32) -> (i32, i32) {
    %c0_i32 = arith.constant 0 : i32
    %c0_i32_0 = arith.constant 0 : i32
    return %arg0, %c0_i32 : i32, i32
  }
  func.func @transform_1(%arg0: i32) -> (i32, i32) {
    %c0_i32 = arith.constant 0 : i32
    %c0_i32_0 = arith.constant 0 : i32
    %c0_i32_1 = arith.constant 0 : i32
    return %c0_i32, %c0_i32_0 : i32, i32
  }
  func.func @transform_2(%arg0: i32) -> (i32, i32) {
    %c0_i32 = arith.constant 0 : i32
    %c0_i32_0 = arith.constant 0 : i32
    return %arg0, %c0_i32 : i32, i32
  }
  func.func @transform_3(%arg0: i32) -> (i32, i32) {
    %c0_i32 = arith.constant 0 : i32
    %c0_i32_0 = arith.constant 0 : i32
    return %arg0, %c0_i32 : i32, i32
  }
}

</mosaic_0001>

<sc_bundles>
// kernel: kernel.4.cloned.1.call-start
scs
__scs_entry_jumppad:
0x0: {  	(pc) =	sbr.rel $0x88, $3  }
0x1: {  	(tag) =	ssettag $0x0;
	lr =	simm.s32 $0x1  }
0x2: {  	[smem:$0x3F9F] =	sst lr;
	_ =	strace $0xD0000000  }
0x3: {  	_ = 	snop  }
0x4: {  	_ = 	snop  }
0x5: {  	_ = 	snop  }
0x6: {  	_ = 	snop  }
0x7: {  	_ = 	snop  }
__scs_overlays_trampoline_lowered:
0x8: {  	[smem:$0x3FAE] =	sst s0  }
0x9: {  	[smem:$0x3FAF] =	sst s1  }
0xa: {  	[smem:$0x3FB0] =	sst s2  }
0xb: {  	[smem:$0x3FB1] =	sst s3  }
0xc: {  	[smem:$0x3FB2] =	sst s4  }
0xd: {  	[smem:$0x3FB3] =	sst s5  }
0xe: {  	[smem:$0x3FB4] =	sst s6  }
0xf: {  	[smem:$0x3FB5] =	sst s7  }
0x10: {  	[smem:$0x3FB6] =	sst s8  }
0x11: {  	[smem:$0x3FB7] =	sst s9;
	s0 =	simm.s32 @!p0 $0x0  }
0x12: {  	s1 =	sld [smem:$0x3F9D];
	s0 =	simm.s32 @p0 $0x1  }
0x13: {  	[smem:$0x3FB8] =	sst s0;
	s0 =	simm.s32 @!p1 $0x0  }
0x14: {  	s2 =	sld [smem:$0x3F9C];
	s0 =	simm.s32 @p1 $0x1  }
0x15: {  	[smem:$0x3FB9] =	sst s0;
	s0 =	simm.s32 @!p2 $0x0  }
0x16: {  	s3 =	sld [smem:$0x3FDB];
	s0 =	simm.s32 @p2 $0x1  }
0x17: {  	s4 =	simm.s32 $0x1BF5;
	[smem:$0x3FBB] =	sst s0  }
0x18: {  	s0 =	sld [smem:$0x3F9E];
	_ =	swait.ge [sflag:s4], $0x0  }
0x19: {  	s7 =	sld [smem:$0x3F9F]  }
0x1a: {  	s8 =	sadd.s32 $0xFFFFE003, lr  }
0x1b: {  	s9 =	sadd.s32 $0xFFFFFEF7, lr;
	s5 =	simm.s32 $0xFFFFFFFF;
	p2 =	slt.u32 s8, $0xFFFFF086  }
0x1c: {  	p1 =	slt.u32 s9, $0xF7A;
	s5 =	simm.s32 @!p2 $0x0  }
0x1d: {  	s5 =	simm.s32 @p1 $0x1;
	p0 =	seq.s32 s7, s2  }
0x1e: {  	s7 =	smul.u32 @!p0 $0xF7A, s2;
	p2 =	seq.s32 @!p0 s5, $0x0  }
0x1f: {  	s9 =	smul.u32 $0xF7A, s1;
	s8 =	simm.s32 @!p0 $0x1BF5;
	p2 =	por !p2, p0  }
0x20: {  	[sflag:s8] =	ssyncset.s32 @!p0 $0xFFFFF086;
	s6 =	sadd.s32 @!p0 s3, s7;
	s7 =	simm.s32 @!p0 $0x108  }
0x21: {  	s3 =	sadd.s32 s3, s9;
	s6 =	sadd.s32 @!p0 $0x88, s6;
	s7 =	simm.s32 @p2 $0x1082  }
0x22: {  	[simem:s7], [sflag:s8] =	dma.local @!p0 [hbm:s6], $0xF7A  }
0x23: {  	s9 =	sor.u32 $0xD0000000, s2;
	s6 =	simm.s32 $0x108;
	_ =	swait.ge @!p0 [sflag:s8], $0x0  }
0x24: {  	s3 =	sadd.s32 $0x88, s3;
	s6 =	simm.s32 @!p1 $0x1082;
	[sflag:s4] =	ssyncset.s32 $0xFFFFF086  }
0x25: {  	[simem:s6], [sflag:s4] =	dma.local [hbm:s3], $0xF7A  }
0x26: {  	[smem:$0x3F9F] =	sst s1;
	(tag) =	ssettag s2;
	_ =	strace s9  }
0x27: {  	s1 =	sld [smem:$0x3FAF]  }
0x28: {  	s2 =	sld [smem:$0x3FB0]  }
0x29: {  	s4 =	sld [smem:$0x3FB2]  }
0x2a: {  	p0 =	seq.s32 s5, $0x0;
	s5 =	sld [smem:$0x3FB3]  }
0x2b: {  	s6 =	sld [smem:$0x3FB4]  }
0x2c: {  	s7 =	sld [smem:$0x3FB5]  }
0x2d: {  	s3 =	simm.s32 $0x108;
	s8 =	sld [smem:$0x3FB6]  }
0x2e: {  	s3 =	simm.s32 @!p0 $0x1082;
	s9 =	sld [smem:$0x3FB7]  }
0x2f: {  	lr =	sadd.s32 s0, s3;
	s0 =	sld [smem:$0x3FAE]  }
0x30: {  	s3 =	sld [smem:$0x3FB1]  }
0x31: {  	[smem:$0x3FBA] =	sst s10  }
0x32: {  	s10 =	sld [smem:$0x3FB8];
	_ =	sdelay $0x3  }
0x33: {  	p0 =	seq.s32 s10, $0x1;
	s10 =	sld [smem:$0x3FBA];
	_ =	sdelay $0x3  }
0x34: {  	[smem:$0x3FBA] =	sst s10  }
0x35: {  	s10 =	sld [smem:$0x3FB9];
	_ =	sdelay $0x3  }
0x36: {  	p1 =	seq.s32 s10, $0x1;
	s10 =	sld [smem:$0x3FBA];
	_ =	sdelay $0x3  }
0x37: {  	[smem:$0x3FBA] =	sst s10  }
0x38: {  	s10 =	sld [smem:$0x3FBB]  }
0x39: {  	_ = 	snop;
	(pc) =	sbr.ind lr, $3  }
0x3a: {  	_ = 	snop  }
0x3b: {  	_ = 	snop  }
0x3c: {  	p2 =	seq.s32 s10, $0x1;
	s10 =	sld [smem:$0x3FBA]  }
0x3d: {  	_ =	shalt  }
0x3e: {  	_ =	shalt  }
0x3f: {  	_ =	shalt  }
0x40: {  	_ =	shalt  }
0x41: {  	_ =	shalt  }
0x42: {  	_ =	shalt  }
0x43: {  	_ =	shalt  }
0x44: {  	_ =	shalt  }
0x45: {  	_ =	shalt  }
0x46: {  	_ =	shalt  }
0x47: {  	_ =	shalt  }
0x48: {  	_ =	shalt  }
0x49: {  	_ =	shalt  }
0x4a: {  	_ =	shalt  }
0x4b: {  	_ =	shalt  }
0x4c: {  	_ =	shalt  }
0x4d: {  	_ =	shalt  }
0x4e: {  	_ =	shalt  }
0x4f: {  	_ =	shalt  }
0x50: {  	_ =	shalt  }
0x51: {  	_ =	shalt  }
0x52: {  	_ =	shalt  }
0x53: {  	_ =	shalt  }
0x54: {  	_ =	shalt  }
0x55: {  	_ =	shalt  }
0x56: {  	_ =	shalt  }
0x57: {  	_ =	shalt  }
0x58: {  	_ =	shalt  }
0x59: {  	_ =	shalt  }
0x5a: {  	_ =	shalt  }
0x5b: {  	_ =	shalt  }
0x5c: {  	_ =	shalt  }
0x5d: {  	_ =	shalt  }
0x5e: {  	_ =	shalt  }
0x5f: {  	_ =	shalt  }
0x60: {  	_ =	shalt  }
0x61: {  	_ =	shalt  }
0x62: {  	_ =	shalt  }
0x63: {  	_ =	shalt  }
0x64: {  	_ =	shalt  }
0x65: {  	_ =	shalt  }
0x66: {  	_ =	shalt  }
0x67: {  	_ =	shalt  }
0x68: {  	_ =	shalt  }
0x69: {  	_ =	shalt  }
0x6a: {  	_ =	shalt  }
0x6b: {  	_ =	shalt  }
0x6c: {  	_ =	shalt  }
0x6d: {  	_ =	shalt  }
0x6e: {  	_ =	shalt  }
0x6f: {  	_ =	shalt  }
0x70: {  	_ =	shalt  }
0x71: {  	_ =	shalt  }
0x72: {  	_ =	shalt  }
0x73: {  	_ =	shalt  }
0x74: {  	_ =	shalt  }
0x75: {  	_ =	shalt  }
0x76: {  	_ =	shalt  }
0x77: {  	_ =	shalt  }
0x78: {  	_ =	shalt  }
0x79: {  	_ =	shalt  }
0x7a: {  	_ =	shalt  }
0x7b: {  	_ =	shalt  }
0x7c: {  	_ =	shalt  }
0x7d: {  	_ =	shalt  }
0x7e: {  	_ =	shalt  }
0x7f: {  	_ =	shalt  }
0x80: {  	_ =	shalt  }
0x81: {  	_ =	shalt  }
0x82: {  	_ =	shalt  }
0x83: {  	_ =	shalt  }
0x84: {  	_ =	shalt  }
0x85: {  	_ =	shalt  }
0x86: {  	_ =	shalt  }
0x87: {  	_ =	shalt  }
.Lfunc_end0:
.L_simem_size_0:
called_computation_lowered:
.L_overlay_start_0:
0x88: {  	s2 =	sld [smem:$0x3FD9]  }
0x89: {  	s3 =	sld [smem:$0x3FFE];
	_ =	sdelay $0x1  }
0x8a: {  	s1 =	srdreg.scid  }
0x8b: {  	s0 =	sand.u32 $0x1, s1  }
0x8c: {  	s16 =	sshll.u32 s0, $0xA;
	s2 =	sadd.s32 s3, s2  }
0x8d: {  	s2 =	sadd.s32 s2, s16  }
0x8e: {  	[smem:$0x3FC6] =	sst s2  }
0x8f: {  	_ = 	snop  }
0x90: {  	(tm) =	ssettm $0x1  }
0x91: {  	s17 =	sld [smem:$0x3FFB];
	_ =	sdelay $0x3  }
0x92: {  	_ =	strace s17  }
0x93: {  	s2 =	sld [smem:$0x3FFC];
	_ =	sdelay $0x3  }
0x94: {  	_ =	strace s2  }
0x95: {  	s2 =	sld [smem:$0x3FFD];
	_ =	sdelay $0x3  }
0x96: {  	_ =	strace s2  }
0x97: {  	_ =	strace $0x8FFFFFFF  }
0x98: {  	s18 =	sld [smem:$0x3FDB];
	_ =	sdelay $0x1  }
0x99: {  	s19 =	simm.s32 $_scs_section_size  }
0x9a: {  	s4 =	simm.s32 $_size__tile_overlayer_lowered;
	s5 =	simm.s32 $_tile_overlayer_lowered  }
0x9b: {  	s22 =	simm.s32 $0x1BFF;
	s21 =	sshll.u32 s5, $0x1;
	s2 =	sadd.s32 s19, s18  }
0x9c: {  	s6 =	simm.s32 $0x0;
	s20 =	sshll.u32 s4, $0x1;
	s4 =	sadd.s32 s21, s2  }
0x9d: {  	[timem:s6], [sflag:s22] =	dma.local [hbm:s4], s20  }
0x9e: {  	_ =	swait.ge [sflag:s22], s20  }
0x9f: {  	s3 =	ssub.s32 $0x0, s20;
	[sflag:s22] =	ssyncset.done $0x0  }
0xa0: {  	[sflag:s22] =	ssyncadd.s32 s3;
	_ =	sdelay $0x1  }
0xa1: {  	s23 =	simm.s32 $0x1B8B  }
0xa2: {  	_ =	swait.ge [sflag:s23], $0x1  }
0xa3: {  	[sflag:s23] =	ssyncset.done $0x0  }
0xa4: {  	s25 =	simm.s32 $0x1B8E;
	s24 =	sld [smem:$0x3FFE];
	[sflag:s23] =	ssyncadd.s32 $0xFFFFFFFF  }
0xa5: {  	s26 =	simm.s32 $execute0_lowered;
	[smem:$0x3FD2] =	sst s25  }
0xa6: {  	s4 =	sshll.u32 s26, $0x1;
	_ =	strace $0x80000046;
	[dreg:$0x1] =	wrdreg $0xFFFFFFFF  }
0xa7: {  	s28 =	simm.s32 $_size_execute0_lowered;
	s2 =	sadd.s32 s2, s4;
	[dreg:$0x0] =	wrdreg $0x0  }
0xa8: {  	s4 =	sshll.u32 s28, $0x1;
	[dreg:$0x2] =	wrdreg s2  }
0xa9: {  	[dreg:$0x3] =	wrdreg s4  }
0xaa: {  	[dreg:$0x4] =	wrdreg $0xC0  }
0xab: {  	_ =	task [dreg:s6], $0x5FFFF  }
0xac: {  	[dreg:$0x1] =	wrdreg $0xFFFFFFFF  }
0xad: {  	[dreg:$0x0] =	wrdreg $0x60  }
0xae: {  	[dreg:$0x2] =	wrdreg s24  }
0xaf: {  	[dreg:$0x3] =	wrdreg $0x9  }
0xb0: {  	_ =	task.clear_ibuf [dreg:s6], $0x4FFFF;
	_ =	strace $0x90000046  }
0xb1: {  	s29 =	simm.s32 $0x9;
	_ =	strace $0x80000048  }
0xb2: {  	_ =	swait.ge [sflag:s29], $0x1  }
0xb3: {  	[sflag:s29] =	ssyncadd.s32 $0xFFFFFFFF  }
0xb4: {  	_ =	strace $0x90000048  }
0xb5: {  	_ =	sfence  }
0xb6: {  	s30 =	sld [smem:$0x0];
	_ =	sdelay $0x2  }
0xb7: {  	s31 =	sshll.u32 s1, $0xD;
	s1 =	sshrl.u32 s1, $0x2  }
0xb8: {  	s3 =	sand.u32 $0x4000, s31;
	s1 =	sadd.s32 s1, s30  }
0xb9: {  	s0 =	sor.u32 s3, s0;
	s1 =	sshll.u32 s1, $0x11  }
0xba: {  	s0 =	sor.u32 s1, s0  }
0xbb: {  	s0 =	sadd.s32 $0x8F2B, s0  }
0xbc: {  	[sflag:s0] =	ssyncadd.remote.s32 $0x1  }
0xbd: {  	_ =	sfence.sel $0xFFFF  }
0xbe: {  	[dreg:$0x0] =	wrdreg $0xFFFFFFFF;
	(pc) =	sbr.abs _section_cstart, $3  }
0xbf: {  	[dreg:$0x1] =	wrdreg $0xFFFFFFFF  }
0xc0: {  	_ =	task.clear_ibuf [dreg:s6], $0x2FFFF;
	_ =	strace $0x9FFFFFFF  }
0xc1: {  	(tm) =	ssettm $0x7FFFFFFF  }
tec
execute0_lowered:
.L_overlay_start_1:
0x0: {  	(tag) =	ssettag $0x1  }
0x1: {  	s3 =	rddreg [dreg:$0x0]  }
0x2: {  	s0 =	rddreg [dreg:$0x1];
	s4 =	srdreg.scid  }
0x3: {  	s2 =	simm.s32 $0x0;
	s1 =	stileid.u32;
	s8 =	simm.s32 $0x8000  }
0x4: {  	s9 =	simm.s32 $0xC000;
	s10 =	simm.s32 $0x10000;
	s11 =	simm.s32 $0x14000  }
0x5: {  	s12 =	simm.s32 $0x18000;
	s13 =	simm.s32 $0x1C000;
	s14 =	simm.s32 $0x0  }
0x6: {  	s4 =	sand.u32 $0x1, s4;
	[smem:$0x7FF] =	sst s2;
	s5 =	sshll.u32 s1, $0x15  }
0x7: {  	s6 =	ssub.s32 $0x2, s4;
	s5 =	sadd.s32 s5, s3;
	s4 =	sshll.u32 s4, $0x14  }
0x8: {  	_ =	strace $0x80000047;
	s7 =	sshrl.u32 s6, $0x1;
	s5 =	sadd.s32 s4, s5  }
0x9: {  	s3 =	sadd.s32 $0xA00, s3;
	s6 =	ssub.s32 s6, s7;
	s5 =	sadd.s32 $0x1200, s5  }
0xa: {  	s7 =	simm.s32 $0x4000;
	s4 =	smax.u32 s6, $0x1;
	s6 =	simm.s32 $0x1  }
.LBB2_1:
0xb: {  	[tilespmem:s2], [sflag:$0x1] =	stream.linear.gather [hbm4b:s3+s2], $0x4000, $0x38;
	v63 =	vld [tilespmem:$0x0]  }
0xc: {  	_ =	swait.ge [sflag:s6], $0x4000  }
0xd: {  	[sflag:s6] =	ssyncset.done $0x0  }
0xe: {  	[sflag:s6] =	ssyncadd.s32 $0xFFFFC000  }
0xf: {  	[tilespmem:s7], [sflag:$0x1] =	stream.linear.gather [hbm4b:s3+s2], $0x4000, $0x38;
	v63 =	vld [tilespmem:$0x0]  }
0x10: {  	_ =	swait.ge [sflag:s6], $0x4000  }
0x11: {  	[sflag:s6] =	ssyncset.done $0x0  }
0x12: {  	[sflag:s6] =	ssyncadd.s32 $0xFFFFC000  }
0x13: {  	[tilespmem:s8], [sflag:$0x1] =	stream.linear.gather [hbm4b:s3+s2], $0x4000, $0x38;
	v63 =	vld [tilespmem:$0x0]  }
0x14: {  	_ =	swait.ge [sflag:s6], $0x4000  }
0x15: {  	[sflag:s6] =	ssyncset.done $0x0  }
0x16: {  	[sflag:s6] =	ssyncadd.s32 $0xFFFFC000  }
0x17: {  	[tilespmem:s9], [sflag:$0x1] =	stream.linear.gather [hbm4b:s3+s2], $0x4000, $0x38;
	v63 =	vld [tilespmem:$0x0]  }
0x18: {  	_ =	swait.ge [sflag:s6], $0x4000  }
0x19: {  	[sflag:s6] =	ssyncset.done $0x0  }
0x1a: {  	[sflag:s6] =	ssyncadd.s32 $0xFFFFC000  }
0x1b: {  	[tilespmem:s10], [sflag:$0x1] =	stream.linear.gather [hbm4b:s3+s2], $0x4000, $0x38;
	v63 =	vld [tilespmem:$0x0]  }
0x1c: {  	_ =	swait.ge [sflag:s6], $0x4000  }
0x1d: {  	[sflag:s6] =	ssyncset.done $0x0  }
0x1e: {  	[sflag:s6] =	ssyncadd.s32 $0xFFFFC000  }
0x1f: {  	[tilespmem:s11], [sflag:$0x1] =	stream.linear.gather [hbm4b:s3+s2], $0x4000, $0x38;
	v63 =	vld [tilespmem:$0x0]  }
0x20: {  	_ =	swait.ge [sflag:s6], $0x4000  }
0x21: {  	[sflag:s6] =	ssyncset.done $0x0  }
0x22: {  	[sflag:s6] =	ssyncadd.s32 $0xFFFFC000  }
0x23: {  	[tilespmem:s12], [sflag:$0x1] =	stream.linear.gather [hbm4b:s3+s2], $0x4000, $0x38;
	v63 =	vld [tilespmem:$0x0]  }
0x24: {  	_ =	swait.ge [sflag:s6], $0x4000  }
0x25: {  	[sflag:s6] =	ssyncset.done $0x0  }
0x26: {  	[sflag:s6] =	ssyncadd.s32 $0xFFFFC000  }
0x27: {  	[tilespmem:s13], [sflag:$0x1] =	stream.linear.gather [hbm4b:s3+s2], $0x4000, $0x38;
	v63 =	vld [tilespmem:$0x0]  }
0x28: {  	_ =	swait.ge [sflag:s6], $0x4000  }
0x29: {  	[sflag:s6] =	ssyncset.done $0x0  }
0x2a: {  	s15 =	sadd.s32 $0x0, s5;
	[sflag:s6] =	ssyncadd.s32 $0xFFFFC000  }
0x2b: {  	[hbm4b:s15+s2] =	stream.linear.scatter [tilespmem:s2], [sflag:$0x1], $0x20000, $0x38;
	v63 =	vld [tilespmem:$0x0]  }
0x2c: {  	_ =	swait.ge [sflag:s6], $0x20000  }
0x2d: {  	s15 =	simm.s32 $0x4000;
	[sflag:s6] =	ssyncset.done $0x0  }
.LBB2_2:
0x2e: {  	s16 =	sadd.s32 s15, s5;
	[sflag:s6] =	ssyncadd.s32 $0xFFFE0000;
	p0 =	sne.s32 s15, $0xFC000  }
0x2f: {  	[hbm4b:s16+s2] =	stream.linear.scatter [tilespmem:s2], [sflag:$0x1], $0x20000, $0x38;
	v63 =	vld [tilespmem:$0x0]  }
.Ltmp0:
0x30: {  	_ = 	snop;
	(pc) =	sbr.rel @p0 .LBB2_2-.Ltmp0, $4  }
0x31: {  	_ = 	snop  }
0x32: {  	s15 =	sadd.s32 $0x4000, s15  }
0x33: {  	_ =	swait.ge [sflag:s6], $0x20000  }
0x34: {  	[sflag:s6] =	ssyncset.done $0x0  }
0x35: {  	s14 =	sadd.s32 $0x1, s14  }
0x36: {  	p0 =	sne.s32 s14, s4  }
.Ltmp1:
0x37: {  	_ = 	snop;
	(pc) =	sbr.rel @p0 .LBB2_1-.Ltmp1, $2  }
0x38: {  	_ =	sdelay $0x2  }
0x39: {  	[sflag:s6] =	ssyncadd.s32 $0xFFFE0000  }
0x3a: {  	_ =	sfence.sel $0x180000  }
0x3b: {  	[bflag:$0x0] =	sbarrier.arrive $0xFFFF  }
0x3c: {  	p0 =	sne.s32 s1, $0x0;
	_ =	strace $0x90000047  }
0x3d: {  	s0 =	sadd.s32 @!p0 $0x100000, s0;
	[bflag:$0x2] =	sbarrier.arrive $0xFFFF  }
0x3e: {  	[sflag:s0] =	ssyncadd.tile.s32 @!p0 $0x1;
	_ =	shalt  }
.Lfunc_end2:
_tile_overlayer_lowered:
.L_overlay_start_2:
0x3f: {  	(tag) =	ssettag $0x2  }
0x40: {  	s0 =	rddreg [dreg:$0x0];
	s2 =	stileid.u32  }
0x41: {  	s1 =	rddreg [dreg:$0x1];
	p0 =	sne.s32 s2, $0x0  }
0x42: {  	s3 =	rddreg [dreg:$0x2];
	[bflag:$0x3] =	sbarrier.arrive $0xFFFF;
	s2 =	simm.s32 @!p0 $0x1C01  }
0x43: {  	[timem:s3], [sflag:s2] =	dma.local @!p0 [hbm:s0], s1  }
0x44: {  	s0 =	simm.s32 @!p0 $0x1  }
0x45: {  	_ =	swait.ge @!p0 [sflag:s0], s1  }
0x46: {  	s1 =	ssub.s32 @!p0 $0x0, s1;
	[sflag:s0] =	ssyncset.done @!p0 $0x0  }
0x47: {  	[sflag:s0] =	ssyncadd.s32 @!p0 s1  }
0x48: {  	[bflag:$0x3] =	sbarrier.arrive $0xFFFF  }
0x49: {  	_ =	shalt  }

</sc_bundles>
